<compile_context>
chip_gen: v7x
topology: tpu7x:2x2x1
jax: 0.10.2.dev20260603
libtpu: 0.0.44.dev20260713+nightly
codegen_flags: <defaults>
</compile_context>

<pallas_src>
import functools

import jax
import jax.numpy as jnp
from jax import lax
from jax.experimental import pallas as pl
from jax.experimental.pallas import tpu as pltpu
from jax.experimental.pallas import tpu_sc as plsc

_NUM_CLASSES = 1000
_THRESHOLD = 0.95
_C_PAD = 1024
_N = 16384
_BLK = 512

_L = 16
_NW = 32
_ROWS_PER = _N // _NW


def _tc_body(st_ref, wt_ref, mp_ref, tgt_ref, loss_ref, thr_ref, beta_ref):
    wt = wt_ref[...]
    st = st_ref[...]
    ones8 = jnp.ones((8, _NUM_CLASSES), jnp.float32)
    _csum = lambda x: lax.dot_general(
        ones8, x, dimension_numbers=(((1,), (0,)), ((), ())),
        preferred_element_type=jnp.float32)[0]
    m = jnp.max(wt, axis=0)
    se = _csum(jnp.exp(wt))
    mp = jnp.exp(m) / se
    iota = lax.broadcasted_iota(jnp.int32, (_NUM_CLASSES, _BLK), 0)
    tgt = jnp.min(jnp.where(wt == m[None, :], iota, _NUM_CLASSES), axis=0)
    lse = jnp.log(_csum(jnp.exp(st)))
    msk = iota == tgt[None, :]
    picked = _csum(jnp.where(msk, st, 0.0))
    mp_ref[...] = mp
    tgt_ref[...] = tgt
    loss_ref[...] = lse - picked

    i = pl.program_id(0)

    @pl.when(i == 0)
    def _():
        beta_ref[...] = jnp.zeros_like(beta_ref)

    @pl.when(jnp.any(mp > _THRESHOLD))
    def _():
        above = (mp > _THRESHOLD).astype(jnp.float32)
        contrib = jnp.sum(jnp.where(msk, above[None, :], 0.0), axis=1)
        beta_ref[...] += jnp.concatenate(
            [contrib, jnp.zeros((_C_PAD - _NUM_CLASSES,), jnp.float32)])

    @pl.when(i == pl.num_programs(0) - 1)
    def _():
        beta = beta_ref[...]
        denom = jnp.maximum(jnp.max(beta), jnp.float32(_N) - jnp.sum(beta))
        b = beta / denom
        thr_ref[...] = _THRESHOLD * (b / (2.0 - b))


def _tc_pass(logits_st, logits_wt):
    return pl.pallas_call(
        _tc_body,
        grid=(_N // _BLK,),
        in_specs=[
            pl.BlockSpec((_NUM_CLASSES, _BLK), lambda i: (0, i)),
            pl.BlockSpec((_NUM_CLASSES, _BLK), lambda i: (0, i)),
        ],
        out_specs=[
            pl.BlockSpec((_BLK,), lambda i: (i,)),
            pl.BlockSpec((_BLK,), lambda i: (i,)),
            pl.BlockSpec((_BLK,), lambda i: (i,)),
            pl.BlockSpec((_C_PAD,), lambda i: (0,)),
        ],
        out_shape=[
            jax.ShapeDtypeStruct((_N,), jnp.float32),
            jax.ShapeDtypeStruct((_N,), jnp.int32),
            jax.ShapeDtypeStruct((_N,), jnp.float32),
            jax.ShapeDtypeStruct((_C_PAD,), jnp.float32),
        ],
        scratch_shapes=[pltpu.VMEM((_C_PAD,), jnp.float32)],
    )(logits_st, logits_wt)


def _sc_body(thr_hbm, mp_hbm, tgt_hbm, loss_hbm, out_hbm,
             thr_v, mp_v, tgt_v, loss_v, out_v, sem):
    wid = lax.axis_index("s") * 2 + lax.axis_index("c")
    base = pl.multiple_of(wid * _ROWS_PER, 8)
    copies = [
        pltpu.make_async_copy(thr_hbm, thr_v, sem),
        pltpu.make_async_copy(mp_hbm.at[pl.ds(base, _ROWS_PER)], mp_v, sem),
        pltpu.make_async_copy(tgt_hbm.at[pl.ds(base, _ROWS_PER)], tgt_v, sem),
        pltpu.make_async_copy(loss_hbm.at[pl.ds(base, _ROWS_PER)], loss_v, sem),
    ]
    for c in copies:
        c.start()
    for c in copies:
        c.wait()

    def row_body(i, acc):
        sl = pl.ds(pl.multiple_of(i * _L, 8), _L)
        t = tgt_v[sl]
        thr_g = plsc.load_gather(thr_v, [t])
        return acc + jnp.where(mp_v[sl] > thr_g, loss_v[sl], 0.0)

    acc = lax.fori_loop(0, _ROWS_PER // _L, row_body,
                        jnp.zeros((_L,), jnp.float32))
    out_v[...] = acc
    pltpu.sync_copy(out_v, out_hbm.at[pl.ds(pl.multiple_of(wid * _L, 8), _L)])


@functools.lru_cache(maxsize=1)
def _sc_pass():
    return functools.partial(
        pl.kernel,
        mesh=plsc.VectorSubcoreMesh(core_axis_name="c", subcore_axis_name="s"),
        compiler_params=pltpu.CompilerParams(needs_layout_passes=False),
        out_type=jax.ShapeDtypeStruct((_NW * _L,), jnp.float32),
        scratch_types=[
            pltpu.VMEM((_C_PAD,), jnp.float32),
            pltpu.VMEM((_ROWS_PER,), jnp.float32),
            pltpu.VMEM((_ROWS_PER,), jnp.int32),
            pltpu.VMEM((_ROWS_PER,), jnp.float32),
            pltpu.VMEM((_L,), jnp.float32),
            pltpu.SemaphoreType.DMA,
        ],
    )(_sc_body)


def kernel(logits_s, logits_w):
    mp, tgt, loss_raw, thr = _tc_pass(logits_s.T, logits_w.T)
    partials = _sc_pass()(thr, mp, tgt, loss_raw)
    return jnp.sum(partials) / jnp.float32(_N)

# --- scband reference (transcript-rebuilt; emitter-appended) ---
"""Pipeline reference for scband-flex-match-cross-entropy-5978594476440 (READ-ONLY COPY).

The authoritative reference and input builder live on the scoring server;
editing this copy changes nothing except your own understanding.
"""

import jax, jax.numpy as jnp
import numpy as np

NUM_CLASSES = 1000
TEMPERATURE = 1.0
THRESHOLD = 0.95


def setup_inputs(seed: int = 0) -> dict:
    key = jax.random.key(seed)
    k1, k2 = jax.random.split(key)
    logits_s = jax.random.normal(k1, (16384, NUM_CLASSES), dtype=jnp.float32)
    logits_w = jax.random.normal(k2, (16384, NUM_CLASSES), dtype=jnp.float32)
    return {"logits_s": logits_s, "logits_w": logits_w}


def reference(logits_s, logits_w):
    # FlexMatch: class-adaptive confidence threshold
    probs = jax.nn.softmax(logits_w / TEMPERATURE, axis=-1)
    max_probs = jnp.max(probs, axis=-1)
    targets = jnp.argmax(probs, axis=-1)
    above = (max_probs > THRESHOLD).astype(jnp.float32)
    # beta = bincount(targets, weights=above, minlength=NUM_CLASSES)
    beta = jnp.zeros((NUM_CLASSES,), dtype=jnp.float32).at[targets].add(above)
    n = logits_w.shape[0]
    denom = jnp.maximum(beta.max(), jnp.float32(n) - beta.sum())
    beta = beta / denom
    beta = beta / (2.0 - beta)
    masks = (max_probs > THRESHOLD * beta[targets]).astype(jnp.float32)
    # cross_entropy(logits_s, targets, reduction='none')
    lse = jax.scipy.special.logsumexp(logits_s, axis=-1)
    picked = jnp.take_along_axis(logits_s, targets[:, None], axis=-1)[:, 0]
    loss = (lse - picked) * masks
    return jnp.mean(loss)

if __name__ == "__main__":
    import jax
    _d = setup_inputs()
    print(jax.jit(kernel)(*tuple(_d.values())))

</pallas_src>

<mosaic_0001>
#map = affine_map<(d0, d1) -> (0)>
module attributes {stable_mosaic.version = 14 : i64} {
  func.func @_sc_body(%arg0: i32, %arg1: i32, %arg2: memref<1024xf32, #tpu.memory_space<hbm>>, %arg3: memref<16384xf32, #tpu.memory_space<hbm>>, %arg4: memref<16384xi32, #tpu.memory_space<hbm>>, %arg5: memref<16384xf32, #tpu.memory_space<hbm>>, %arg6: memref<512xf32, #tpu.memory_space<hbm>>, %arg7: memref<1024xf32, #tpu.memory_space<vmem>>, %arg8: memref<512xf32, #tpu.memory_space<vmem>>, %arg9: memref<512xi32, #tpu.memory_space<vmem>>, %arg10: memref<512xf32, #tpu.memory_space<vmem>>, %arg11: memref<16xf32, #tpu.memory_space<vmem>>, %arg12: memref<!tpu.dma_semaphore, #tpu.memory_space<semaphore_mem>>) attributes {dimension_semantics = [#tpu.dimension_semantics<core_parallel>, #tpu.dimension_semantics<subcore_parallel>], iteration_bounds = array<i64: 2, 16>, scalar_prefetch = 0 : i64, scratch_operands = 6 : i64, tpu.core_type = #tpu.core_type<sc_vector_subcore>, window_params = [{transform_indices = #map}, {transform_indices = #map}, {transform_indices = #map}, {transform_indices = #map}, {transform_indices = #map}]} {
    %mul3A = arith.constant 2 : i32
    %mul3A_0 = arith.muli %arg1, %mul3A : i32
    %add3A = arith.addi %mul3A_0, %arg0 : i32
    %mul3A_1 = arith.constant 512 : i32
    %mul3A_2 = arith.muli %add3A, %mul3A_1 : i32
    %multiple_of3A = tpu.assume_multiple %mul3A_2, 8 : i32
    tpu.enqueue_dma source(%arg2 : memref<1024xf32, #tpu.memory_space<hbm>>) target(%arg7 : memref<1024xf32, #tpu.memory_space<vmem>>) target_semaphore(%arg12 : memref<!tpu.dma_semaphore, #tpu.memory_space<semaphore_mem>>)
    %dma_start3A = tpu.memref_slice %arg3[%multiple_of3A] : memref<16384xf32, #tpu.memory_space<hbm>> -> memref<512xf32, #tpu.memory_space<hbm>>
    %dma_start3A_3 = tpu.memref_slice %arg3[%multiple_of3A] : memref<16384xf32, #tpu.memory_space<hbm>> -> memref<512xf32, #tpu.memory_space<hbm>>
    tpu.enqueue_dma source(%dma_start3A_3 : memref<512xf32, #tpu.memory_space<hbm>>) target(%arg8 : memref<512xf32, #tpu.memory_space<vmem>>) target_semaphore(%arg12 : memref<!tpu.dma_semaphore, #tpu.memory_space<semaphore_mem>>)
    %dma_start3A_4 = tpu.memref_slice %arg4[%multiple_of3A] : memref<16384xi32, #tpu.memory_space<hbm>> -> memref<512xi32, #tpu.memory_space<hbm>>
    %dma_start3A_5 = tpu.memref_slice %arg4[%multiple_of3A] : memref<16384xi32, #tpu.memory_space<hbm>> -> memref<512xi32, #tpu.memory_space<hbm>>
    tpu.enqueue_dma source(%dma_start3A_5 : memref<512xi32, #tpu.memory_space<hbm>>) target(%arg9 : memref<512xi32, #tpu.memory_space<vmem>>) target_semaphore(%arg12 : memref<!tpu.dma_semaphore, #tpu.memory_space<semaphore_mem>>)
    %dma_start3A_6 = tpu.memref_slice %arg5[%multiple_of3A] : memref<16384xf32, #tpu.memory_space<hbm>> -> memref<512xf32, #tpu.memory_space<hbm>>
    %dma_start3A_7 = tpu.memref_slice %arg5[%multiple_of3A] : memref<16384xf32, #tpu.memory_space<hbm>> -> memref<512xf32, #tpu.memory_space<hbm>>
    tpu.enqueue_dma source(%dma_start3A_7 : memref<512xf32, #tpu.memory_space<hbm>>) target(%arg10 : memref<512xf32, #tpu.memory_space<vmem>>) target_semaphore(%arg12 : memref<!tpu.dma_semaphore, #tpu.memory_space<semaphore_mem>>)
    tpu.wait_dma2 semaphore(%arg12 : memref<!tpu.dma_semaphore, #tpu.memory_space<semaphore_mem>>) src(%arg2 : memref<1024xf32, #tpu.memory_space<hbm>>) dst(%arg7 : memref<1024xf32, #tpu.memory_space<vmem>>)
    %dma_wait3A = tpu.memref_slice %arg3[%multiple_of3A] : memref<16384xf32, #tpu.memory_space<hbm>> -> memref<512xf32, #tpu.memory_space<hbm>>
    %dma_wait3A_8 = tpu.memref_slice %arg3[%multiple_of3A] : memref<16384xf32, #tpu.memory_space<hbm>> -> memref<512xf32, #tpu.memory_space<hbm>>
    tpu.wait_dma2 semaphore(%arg12 : memref<!tpu.dma_semaphore, #tpu.memory_space<semaphore_mem>>) src(%dma_wait3A_8 : memref<512xf32, #tpu.memory_space<hbm>>) dst(%arg8 : memref<512xf32, #tpu.memory_space<vmem>>)
    %dma_wait3A_9 = tpu.memref_slice %arg4[%multiple_of3A] : memref<16384xi32, #tpu.memory_space<hbm>> -> memref<512xi32, #tpu.memory_space<hbm>>
    %dma_wait3A_10 = tpu.memref_slice %arg4[%multiple_of3A] : memref<16384xi32, #tpu.memory_space<hbm>> -> memref<512xi32, #tpu.memory_space<hbm>>
    tpu.wait_dma2 semaphore(%arg12 : memref<!tpu.dma_semaphore, #tpu.memory_space<semaphore_mem>>) src(%dma_wait3A_10 : memref<512xi32, #tpu.memory_space<hbm>>) dst(%arg9 : memref<512xi32, #tpu.memory_space<vmem>>)
    %dma_wait3A_11 = tpu.memref_slice %arg5[%multiple_of3A] : memref<16384xf32, #tpu.memory_space<hbm>> -> memref<512xf32, #tpu.memory_space<hbm>>
    %dma_wait3A_12 = tpu.memref_slice %arg5[%multiple_of3A] : memref<16384xf32, #tpu.memory_space<hbm>> -> memref<512xf32, #tpu.memory_space<hbm>>
    tpu.wait_dma2 semaphore(%arg12 : memref<!tpu.dma_semaphore, #tpu.memory_space<semaphore_mem>>) src(%dma_wait3A_12 : memref<512xf32, #tpu.memory_space<hbm>>) dst(%arg10 : memref<512xf32, #tpu.memory_space<vmem>>)
    %broadcast_in_dim3A = arith.constant 0.000000e+00 : f32
    %broadcast_in_dim3A_13 = vector.broadcast %broadcast_in_dim3A : f32 to vector<16xf32>
    %scan3A = arith.constant 0 : i32
    %scan3A_14 = arith.constant 32 : i32
    %scan3A_15 = arith.addi %scan3A, %scan3A_14 : i32
    %scan3A_16 = arith.constant 1 : i32
    %scan3A_17 = scf.for %scan3A_23 = %scan3A to %scan3A_15 step %scan3A_16 iter_args(%scan3A_24 = %broadcast_in_dim3A_13) -> (vector<16xf32>)  : i32 {
      %mul3A_25 = arith.constant 16 : i32
      %mul3A_26 = arith.muli %scan3A_23, %mul3A_25 : i32
      %multiple_of3A_27 = tpu.assume_multiple %mul3A_26, 8 : i32
      %get3A = arith.index_cast %multiple_of3A_27 : i32 to index
      %get3A_28 = tpu.vector_load %arg9[%get3A] {strides = array<i32>} : memref<512xi32, #tpu.memory_space<vmem>>, vector<16xi32>,
      %gather3A = tpu.vector_load_idx %arg7[%get3A_28] : memref<1024xf32, #tpu.memory_space<vmem>>[vector<16xi32>], vector<16xf32>,
      %get3A_29 = arith.index_cast %multiple_of3A_27 : i32 to index
      %get3A_30 = tpu.vector_load %arg8[%get3A_29] {strides = array<i32>} : memref<512xf32, #tpu.memory_space<vmem>>, vector<16xf32>,
      %gt3A = arith.cmpf ogt, %get3A_30, %gather3A : vector<16xf32>
      %get3A_31 = arith.index_cast %multiple_of3A_27 : i32 to index
      %get3A_32 = tpu.vector_load %arg10[%get3A_31] {strides = array<i32>} : memref<512xf32, #tpu.memory_space<vmem>>, vector<16xf32>,
      %jit3A = arith.constant 0.000000e+00 : f32
      %broadcast_in_dim3A_33 = vector.broadcast %jit3A : f32 to vector<16xf32>
      %select_n3A = arith.select %gt3A, %get3A_32, %broadcast_in_dim3A_33 : vector<16xi1>, vector<16xf32>
      %add3A_34 = arith.addf %scan3A_24, %select_n3A : vector<16xf32>
      scf.yield %add3A_34 : vector<16xf32>
    }
    %scan3A_18 = arith.constant 32 : i32
    %swap3A = arith.constant 0 : index
    %swap3A_19 = tpu.vector_load %arg11[%swap3A] {strides = array<i32>} : memref<16xf32, #tpu.memory_space<vmem>>, vector<16xf32>,
    tpu.vector_store %arg11[%swap3A], %scan3A_17 {strides = array<i32>} : memref<16xf32, #tpu.memory_space<vmem>>, vector<16xf32>,
    %mul3A_20 = arith.constant 16 : i32
    %mul3A_21 = arith.muli %add3A, %mul3A_20 : i32
    %multiple_of3A_22 = tpu.assume_multiple %mul3A_21, 8 : i32
    "tpu.region"() ({
      %run_scoped3A = tpu.sem_alloc : memref<!tpu.dma_semaphore, #tpu.memory_space<semaphore_mem>>
      %dma_start3A_23 = tpu.memref_slice %arg6[%multiple_of3A_22] : memref<512xf32, #tpu.memory_space<hbm>> -> memref<16xf32, #tpu.memory_space<hbm>>
      %dma_start3A_24 = tpu.memref_slice %arg6[%multiple_of3A_22] : memref<512xf32, #tpu.memory_space<hbm>> -> memref<16xf32, #tpu.memory_space<hbm>>
      tpu.enqueue_dma source(%arg11 : memref<16xf32, #tpu.memory_space<vmem>>) target(%dma_start3A_24 : memref<16xf32, #tpu.memory_space<hbm>>) target_semaphore(%run_scoped3A : memref<!tpu.dma_semaphore, #tpu.memory_space<semaphore_mem>>)
      %dma_wait3A_25 = tpu.memref_slice %arg6[%multiple_of3A_22] : memref<512xf32, #tpu.memory_space<hbm>> -> memref<16xf32, #tpu.memory_space<hbm>>
      %dma_wait3A_26 = tpu.memref_slice %arg6[%multiple_of3A_22] : memref<512xf32, #tpu.memory_space<hbm>> -> memref<16xf32, #tpu.memory_space<hbm>>
      tpu.wait_dma2 semaphore(%run_scoped3A : memref<!tpu.dma_semaphore, #tpu.memory_space<semaphore_mem>>) src(%arg11 : memref<16xf32, #tpu.memory_space<vmem>>) dst(%dma_wait3A_26 : memref<16xf32, #tpu.memory_space<hbm>>)
      tpu.yield
    }) : () -> ()
    return
  }
}

module attributes {stable_mosaic.version = 14 : i64} {
  func.func @_tc_body(%arg0: i32, %arg1: memref<1000x512xf32, #tpu.memory_space<vmem>>, %arg2: memref<1000x512xf32, #tpu.memory_space<vmem>>, %arg3: memref<512xf32, #tpu.memory_space<vmem>>, %arg4: memref<512xi32, #tpu.memory_space<vmem>>, %arg5: memref<512xf32, #tpu.memory_space<vmem>>, %arg6: memref<1024xf32, #tpu.memory_space<vmem>>, %arg7: memref<1024xf32, #tpu.memory_space<vmem>>) attributes {dimension_semantics = [#tpu.dimension_semantics<arbitrary>], iteration_bounds = array<i64: 32>, scalar_prefetch = 0 : i64, scratch_operands = 1 : i64, tpu.core_type = #tpu.core_type<tc>, window_params = [{transform_indices = @transform_0, window_bounds = array<i64: 1000, 512>}, {transform_indices = @transform_1, window_bounds = array<i64: 1000, 512>}, {transform_indices = @transform_2, window_bounds = array<i64: 512>}, {transform_indices = @transform_3, window_bounds = array<i64: 512>}, {transform_indices = @transform_4, window_bounds = array<i64: 512>}, {pipeline_mode = #tpu.pipeline_mode<synchronous>, transform_indices = @transform_5, window_bounds = array<i64: 1024>}]} {
    %get3A = arith.constant 0 : index
    %get3A_0 = arith.constant 0 : index
    %get3A_1 = vector.load %arg2[%get3A, %get3A_0] : memref<1000x512xf32, #tpu.memory_space<vmem>>, vector<1000x512xf32>
    %get3A_2 = arith.constant 0 : index
    %get3A_3 = arith.constant 0 : index
    %get3A_4 = vector.load %arg1[%get3A_2, %get3A_3] : memref<1000x512xf32, #tpu.memory_space<vmem>>, vector<1000x512xf32>
    %broadcast_in_dim3A = arith.constant 1.000000e+00 : f32
    %broadcast_in_dim3A_5 = vector.broadcast %broadcast_in_dim3A : f32 to vector<8x1000xf32>
    %reduce_max3A = arith.constant dense<0xFF800000> : vector<512xf32>
    %reduce_max3A_6 = vector.multi_reduction <maximumf>, %get3A_1, %reduce_max3A [0] : vector<1000x512xf32> to vector<512xf32>
    %exp3A = math.exp %get3A_1 : vector<1000x512xf32>
    %dot_general3A = arith.constant dense<0.000000e+00> : vector<8x512xf32>
    %dot_general3A_7 = tpu.matmul %broadcast_in_dim3A_5, %exp3A, %dot_general3A {dimension_numbers = #tpu.dot_dimension_numbers<[1], [0], [0], [1], [0, 0, 1, 1], [], []>, transpose_lhs_hint = false} : vector<8x1000xf32>, vector<1000x512xf32>, vector<8x512xf32> -> vector<8x512xf32>
    %slice3A = vector.extract_strided_slice %dot_general3A_7 {offsets = [0, 0], sizes = [1, 512], strides = [1, 1]} : vector<8x512xf32> to vector<1x512xf32>
    %squeeze3A = vector.shape_cast %slice3A : vector<1x512xf32> to vector<512xf32>
    %exp3A_8 = math.exp %reduce_max3A_6 : vector<512xf32>
    %div3A = arith.divf %exp3A_8, %squeeze3A : vector<512xf32>
    %iota3A = tpu.iota {dimensions = array<i32: 0>} : vector<1000x512xi32>
    %broadcast_in_dim3A_9 = vector.shape_cast %reduce_max3A_6 : vector<512xf32> to vector<1x512xf32>
    %eq3A = vector.broadcast %broadcast_in_dim3A_9 : vector<1x512xf32> to vector<1000x512xf32>
    %eq3A_10 = arith.cmpf oeq, %get3A_1, %eq3A : vector<1000x512xf32>
    %jit3A = arith.constant 1000 : i32
    %broadcast_in_dim3A_11 = vector.broadcast %jit3A : i32 to vector<1000x512xi32>
    %select_n3A = arith.select %eq3A_10, %iota3A, %broadcast_in_dim3A_11 : vector<1000x512xi1>, vector<1000x512xi32>
    %reduce_min3A = arith.constant dense<2147483647> : vector<512xi32>
    %reduce_min3A_12 = vector.multi_reduction <minsi>, %select_n3A, %reduce_min3A [0] : vector<1000x512xi32> to vector<512xi32>
    %exp3A_13 = math.exp %get3A_4 : vector<1000x512xf32>
    %dot_general3A_14 = arith.constant dense<0.000000e+00> : vector<8x512xf32>
    %dot_general3A_15 = tpu.matmul %broadcast_in_dim3A_5, %exp3A_13, %dot_general3A_14 {dimension_numbers = #tpu.dot_dimension_numbers<[1], [0], [0], [1], [0, 0, 1, 1], [], []>, transpose_lhs_hint = false} : vector<8x1000xf32>, vector<1000x512xf32>, vector<8x512xf32> -> vector<8x512xf32>
    %slice3A_16 = vector.extract_strided_slice %dot_general3A_15 {offsets = [0, 0], sizes = [1, 512], strides = [1, 1]} : vector<8x512xf32> to vector<1x512xf32>
    %squeeze3A_17 = vector.shape_cast %slice3A_16 : vector<1x512xf32> to vector<512xf32>
    %log3A = math.log %squeeze3A_17 : vector<512xf32>
    %broadcast_in_dim3A_18 = vector.shape_cast %reduce_min3A_12 : vector<512xi32> to vector<1x512xi32>
    %eq3A_19 = vector.broadcast %broadcast_in_dim3A_18 : vector<1x512xi32> to vector<1000x512xi32>
    %eq3A_20 = arith.cmpi eq, %iota3A, %eq3A_19 : vector<1000x512xi32>
    %jit3A_21 = arith.constant 0.000000e+00 : f32
    %broadcast_in_dim3A_22 = vector.broadcast %jit3A_21 : f32 to vector<1000x512xf32>
    %select_n3A_23 = arith.select %eq3A_20, %get3A_4, %broadcast_in_dim3A_22 : vector<1000x512xi1>, vector<1000x512xf32>
    %dot_general3A_24 = arith.constant dense<0.000000e+00> : vector<8x512xf32>
    %dot_general3A_25 = tpu.matmul %broadcast_in_dim3A_5, %select_n3A_23, %dot_general3A_24 {dimension_numbers = #tpu.dot_dimension_numbers<[1], [0], [0], [1], [0, 0, 1, 1], [], []>, transpose_lhs_hint = false} : vector<8x1000xf32>, vector<1000x512xf32>, vector<8x512xf32> -> vector<8x512xf32>
    %slice3A_26 = vector.extract_strided_slice %dot_general3A_25 {offsets = [0, 0], sizes = [1, 512], strides = [1, 1]} : vector<8x512xf32> to vector<1x512xf32>
    %squeeze3A_27 = vector.shape_cast %slice3A_26 : vector<1x512xf32> to vector<512xf32>
    %swap3A = arith.constant 0 : index
    %swap3A_28 = vector.load %arg3[%swap3A] : memref<512xf32, #tpu.memory_space<vmem>>, vector<512xf32>
    tpu.vector_store %arg3[%swap3A], %div3A {strides = array<i32>} : memref<512xf32, #tpu.memory_space<vmem>>, vector<512xf32>,
    %swap3A_29 = arith.constant 0 : index
    %swap3A_30 = vector.load %arg4[%swap3A_29] : memref<512xi32, #tpu.memory_space<vmem>>, vector<512xi32>
    tpu.vector_store %arg4[%swap3A_29], %reduce_min3A_12 {strides = array<i32>} : memref<512xi32, #tpu.memory_space<vmem>>, vector<512xi32>,
    %sub3A = arith.subf %log3A, %squeeze3A_27 : vector<512xf32>
    %swap3A_31 = arith.constant 0 : index
    %swap3A_32 = vector.load %arg5[%swap3A_31] : memref<512xf32, #tpu.memory_space<vmem>>, vector<512xf32>
    tpu.vector_store %arg5[%swap3A_31], %sub3A {strides = array<i32>} : memref<512xf32, #tpu.memory_space<vmem>>, vector<512xf32>,
    %eq3A_33 = arith.constant 0 : i32
    %eq3A_34 = arith.cmpi eq, %arg0, %eq3A_33 : i32
    %convert_element_type3A = arith.extui %eq3A_34 : i1 to i32
    %cond3A = arith.constant 0 : i32
    %cond3A_35 = arith.cmpi ne, %convert_element_type3A, %cond3A : i32
    scf.if %cond3A_35 {
      %broadcast_in_dim3A_57 = arith.constant 0.000000e+00 : f32
      %broadcast_in_dim3A_58 = vector.broadcast %broadcast_in_dim3A_57 : f32 to vector<1024xf32>
      %swap3A_59 = arith.constant 0 : index
      %swap3A_60 = vector.load %arg7[%swap3A_59] : memref<1024xf32, #tpu.memory_space<vmem>>, vector<1024xf32>
      tpu.vector_store %arg7[%swap3A_59], %broadcast_in_dim3A_58 {strides = array<i32>} : memref<1024xf32, #tpu.memory_space<vmem>>, vector<1024xf32>,
    } else {
    }
    %gt3A = arith.constant 0.949999988 : f32
    %gt3A_36 = vector.broadcast %gt3A : f32 to vector<512xf32>
    %gt3A_37 = arith.cmpf ogt, %div3A, %gt3A_36 : vector<512xf32>
    %reduce_or3A = arith.constant 1.000000e+00 : f32
    %reduce_or3A_38 = arith.constant 0.000000e+00 : f32
    %reduce_or3A_39 = vector.broadcast %reduce_or3A : f32 to vector<512xf32>
    %reduce_or3A_40 = vector.broadcast %reduce_or3A_38 : f32 to vector<512xf32>
    %reduce_or3A_41 = arith.select %gt3A_37, %reduce_or3A_39, %reduce_or3A_40 : vector<512xi1>, vector<512xf32>
    %reduce_or3A_42 = vector.shape_cast %reduce_or3A_41 : vector<512xf32> to vector<1x512xf32>
    %reduce_or3A_43 = arith.constant dense<0xFF800000> : vector<1xf32>
    %reduce_or3A_44 = vector.multi_reduction <maximumf>, %reduce_or3A_42, %reduce_or3A_43 [1] : vector<1x512xf32> to vector<1xf32>
    %reduce_or3A_45 = vector.shape_cast %reduce_or3A_44 : vector<1xf32> to vector<1x1xf32>
    %reduce_or3A_46 = vector.extract %reduce_or3A_45[0, 0] : f32 from vector<1x1xf32>
    %reduce_or3A_47 = arith.constant 0.000000e+00 : f32
    %reduce_or3A_48 = arith.cmpf ogt, %reduce_or3A_46, %reduce_or3A_47 : f32
    %convert_element_type3A_49 = arith.extui %reduce_or3A_48 : i1 to i32
    %cond3A_50 = arith.constant 0 : i32
    %cond3A_51 = arith.cmpi ne, %convert_element_type3A_49, %cond3A_50 : i32
    scf.if %cond3A_51 {
      %gt3A_57 = arith.constant 0.949999988 : f32
      %gt3A_58 = vector.broadcast %gt3A_57 : f32 to vector<512xf32>
      %gt3A_59 = arith.cmpf ogt, %div3A, %gt3A_58 : vector<512xf32>
      %convert_element_type3A_60 = arith.extui %gt3A_59 : vector<512xi1> to vector<512xi32>
      %convert_element_type3A_61 = arith.sitofp %convert_element_type3A_60 : vector<512xi32> to vector<512xf32>
      %broadcast_in_dim3A_62 = vector.shape_cast %convert_element_type3A_61 : vector<512xf32> to vector<1x512xf32>
      %jit3A_63 = arith.constant 0.000000e+00 : f32
      %broadcast_in_dim3A_64 = vector.shape_cast %broadcast_in_dim3A_62 : vector<1x512xf32> to vector<1x512xf32>
      %broadcast_in_dim3A_65 = vector.broadcast %broadcast_in_dim3A_64 : vector<1x512xf32> to vector<1000x512xf32>
      %broadcast_in_dim3A_66 = vector.broadcast %jit3A_63 : f32 to vector<1000x512xf32>
      %select_n3A_67 = arith.select %eq3A_20, %broadcast_in_dim3A_65, %broadcast_in_dim3A_66 : vector<1000x512xi1>, vector<1000x512xf32>
      %reduce_sum3A = arith.constant dense<0.000000e+00> : vector<1000xf32>
      %reduce_sum3A_68 = vector.multi_reduction <add>, %select_n3A_67, %reduce_sum3A [1] : vector<1000x512xf32> to vector<1000xf32>
      %get3A_69 = arith.constant 0 : index
      %get3A_70 = vector.load %arg7[%get3A_69] : memref<1024xf32, #tpu.memory_space<vmem>>, vector<1024xf32>
      %broadcast_in_dim3A_71 = arith.constant 0.000000e+00 : f32
      %broadcast_in_dim3A_72 = vector.broadcast %broadcast_in_dim3A_71 : f32 to vector<24xf32>
      %concatenate3A = tpu.concatenate %reduce_sum3A_68, %broadcast_in_dim3A_72 in 0 : vector<1000xf32>, vector<24xf32> -> vector<1024xf32>
      %add3A = arith.addf %get3A_70, %concatenate3A : vector<1024xf32>
      %swap3A_73 = arith.constant 0 : index
      %swap3A_74 = vector.load %arg7[%swap3A_73] : memref<1024xf32, #tpu.memory_space<vmem>>, vector<1024xf32>
      tpu.vector_store %arg7[%swap3A_73], %add3A {strides = array<i32>} : memref<1024xf32, #tpu.memory_space<vmem>>, vector<1024xf32>,
    } else {
    }
    %eq3A_52 = arith.constant 31 : i32
    %eq3A_53 = arith.cmpi eq, %arg0, %eq3A_52 : i32
    %convert_element_type3A_54 = arith.extui %eq3A_53 : i1 to i32
    %cond3A_55 = arith.constant 0 : i32
    %cond3A_56 = arith.cmpi ne, %convert_element_type3A_54, %cond3A_55 : i32
    scf.if %cond3A_56 {
      %get3A_57 = arith.constant 0 : index
      %get3A_58 = vector.load %arg7[%get3A_57] : memref<1024xf32, #tpu.memory_space<vmem>>, vector<1024xf32>
      %reduce_max3A_59 = vector.shape_cast %get3A_58 : vector<1024xf32> to vector<1x1024xf32>
      %reduce_max3A_60 = arith.constant dense<0xFF800000> : vector<1xf32>
      %reduce_max3A_61 = vector.multi_reduction <maximumf>, %reduce_max3A_59, %reduce_max3A_60 [1] : vector<1x1024xf32> to vector<1xf32>
      %reduce_max3A_62 = vector.shape_cast %reduce_max3A_61 : vector<1xf32> to vector<1x1xf32>
      %reduce_max3A_63 = vector.extract %reduce_max3A_62[0, 0] : f32 from vector<1x1xf32>
      %reduce_sum3A = vector.shape_cast %get3A_58 : vector<1024xf32> to vector<1x1024xf32>
      %reduce_sum3A_64 = arith.constant dense<0.000000e+00> : vector<1xf32>
      %reduce_sum3A_65 = vector.multi_reduction <add>, %reduce_sum3A, %reduce_sum3A_64 [1] : vector<1x1024xf32> to vector<1xf32>
      %reduce_sum3A_66 = vector.shape_cast %reduce_sum3A_65 : vector<1xf32> to vector<1x1xf32>
      %reduce_sum3A_67 = vector.extract %reduce_sum3A_66[0, 0] : f32 from vector<1x1xf32>
      %sub3A_68 = arith.constant 1.638400e+04 : f32
      %sub3A_69 = arith.subf %sub3A_68, %reduce_sum3A_67 : f32
      %max3A = arith.maximumf %reduce_max3A_63, %sub3A_69 : f32
      %div3A_70 = vector.broadcast %max3A : f32 to vector<1024xf32>
      %div3A_71 = arith.divf %get3A_58, %div3A_70 : vector<1024xf32>
      %sub3A_72 = arith.constant 2.000000e+00 : f32
      %sub3A_73 = vector.broadcast %sub3A_72 : f32 to vector<1024xf32>
      %sub3A_74 = arith.subf %sub3A_73, %div3A_71 : vector<1024xf32>
      %div3A_75 = arith.divf %div3A_71, %sub3A_74 : vector<1024xf32>
      %mul3A = arith.constant 0.949999988 : f32
      %mul3A_76 = vector.broadcast %mul3A : f32 to vector<1024xf32>
      %mul3A_77 = arith.mulf %mul3A_76, %div3A_75 : vector<1024xf32>
      %swap3A_78 = arith.constant 0 : index
      %swap3A_79 = vector.load %arg6[%swap3A_78] : memref<1024xf32, #tpu.memory_space<vmem>>, vector<1024xf32>
      tpu.vector_store %arg6[%swap3A_78], %mul3A_77 {strides = array<i32>} : memref<1024xf32, #tpu.memory_space<vmem>>, vector<1024xf32>,
    } else {
    }
    return
  }
  func.func @transform_0(%arg0: i32) -> (i32, i32) {
    %c0_i32 = arith.constant 0 : i32
    %c0_i32_0 = arith.constant 0 : i32
    return %c0_i32, %arg0 : i32, i32
  }
  func.func @transform_1(%arg0: i32) -> (i32, i32) {
    %c0_i32 = arith.constant 0 : i32
    %c0_i32_0 = arith.constant 0 : i32
    return %c0_i32, %arg0 : i32, i32
  }
  func.func @transform_2(%arg0: i32) -> i32 {
    %c0_i32 = arith.constant 0 : i32
    return %arg0 : i32
  }
  func.func @transform_3(%arg0: i32) -> i32 {
    %c0_i32 = arith.constant 0 : i32
    return %arg0 : i32
  }
  func.func @transform_4(%arg0: i32) -> i32 {
    %c0_i32 = arith.constant 0 : i32
    return %arg0 : i32
  }
  func.func @transform_5(%arg0: i32) -> i32 {
    %c0_i32 = arith.constant 0 : i32
    %c0_i32_0 = arith.constant 0 : i32
    return %c0_i32 : i32
  }
}

</mosaic_0001>

<sc_bundles>
// kernel: kernel.4.cloned.1.call-start
scs
__scs_entry_jumppad:
0x0: {  	(pc) =	sbr.rel $0x88, $3  }
0x1: {  	(tag) =	ssettag $0x0;
	lr =	simm.s32 $0x1  }
0x2: {  	[smem:$0x3F9F] =	sst lr;
	_ =	strace $0xD0000000  }
0x3: {  	_ = 	snop  }
0x4: {  	_ = 	snop  }
0x5: {  	_ = 	snop  }
0x6: {  	_ = 	snop  }
0x7: {  	_ = 	snop  }
__scs_overlays_trampoline_lowered:
0x8: {  	[smem:$0x3FAE] =	sst s0  }
0x9: {  	[smem:$0x3FAF] =	sst s1  }
0xa: {  	[smem:$0x3FB0] =	sst s2  }
0xb: {  	[smem:$0x3FB1] =	sst s3  }
0xc: {  	[smem:$0x3FB2] =	sst s4  }
0xd: {  	[smem:$0x3FB3] =	sst s5  }
0xe: {  	[smem:$0x3FB4] =	sst s6  }
0xf: {  	[smem:$0x3FB5] =	sst s7  }
0x10: {  	[smem:$0x3FB6] =	sst s8  }
0x11: {  	[smem:$0x3FB7] =	sst s9;
	s0 =	simm.s32 @!p0 $0x0  }
0x12: {  	s1 =	sld [smem:$0x3F9D];
	s0 =	simm.s32 @p0 $0x1  }
0x13: {  	[smem:$0x3FB8] =	sst s0;
	s0 =	simm.s32 @!p1 $0x0  }
0x14: {  	s2 =	sld [smem:$0x3F9C];
	s0 =	simm.s32 @p1 $0x1  }
0x15: {  	[smem:$0x3FB9] =	sst s0;
	s0 =	simm.s32 @!p2 $0x0  }
0x16: {  	s3 =	sld [smem:$0x3FDB];
	s0 =	simm.s32 @p2 $0x1  }
0x17: {  	s4 =	simm.s32 $0x1BF5;
	[smem:$0x3FBB] =	sst s0  }
0x18: {  	s0 =	sld [smem:$0x3F9E];
	_ =	swait.ge [sflag:s4], $0x0  }
0x19: {  	s7 =	sld [smem:$0x3F9F]  }
0x1a: {  	s8 =	sadd.s32 $0xFFFFE003, lr  }
0x1b: {  	s9 =	sadd.s32 $0xFFFFFEF7, lr;
	s5 =	simm.s32 $0xFFFFFFFF;
	p2 =	slt.u32 s8, $0xFFFFF086  }
0x1c: {  	p1 =	slt.u32 s9, $0xF7A;
	s5 =	simm.s32 @!p2 $0x0  }
0x1d: {  	s5 =	simm.s32 @p1 $0x1;
	p0 =	seq.s32 s7, s2  }
0x1e: {  	s7 =	smul.u32 @!p0 $0xF7A, s2;
	p2 =	seq.s32 @!p0 s5, $0x0  }
0x1f: {  	s9 =	smul.u32 $0xF7A, s1;
	s8 =	simm.s32 @!p0 $0x1BF5;
	p2 =	por !p2, p0  }
0x20: {  	[sflag:s8] =	ssyncset.s32 @!p0 $0xFFFFF086;
	s6 =	sadd.s32 @!p0 s3, s7;
	s7 =	simm.s32 @!p0 $0x108  }
0x21: {  	s3 =	sadd.s32 s3, s9;
	s6 =	sadd.s32 @!p0 $0x88, s6;
	s7 =	simm.s32 @p2 $0x1082  }
0x22: {  	[simem:s7], [sflag:s8] =	dma.local @!p0 [hbm:s6], $0xF7A  }
0x23: {  	s9 =	sor.u32 $0xD0000000, s2;
	s6 =	simm.s32 $0x108;
	_ =	swait.ge @!p0 [sflag:s8], $0x0  }
0x24: {  	s3 =	sadd.s32 $0x88, s3;
	s6 =	simm.s32 @!p1 $0x1082;
	[sflag:s4] =	ssyncset.s32 $0xFFFFF086  }
0x25: {  	[simem:s6], [sflag:s4] =	dma.local [hbm:s3], $0xF7A  }
0x26: {  	[smem:$0x3F9F] =	sst s1;
	(tag) =	ssettag s2;
	_ =	strace s9  }
0x27: {  	s1 =	sld [smem:$0x3FAF]  }
0x28: {  	s2 =	sld [smem:$0x3FB0]  }
0x29: {  	s4 =	sld [smem:$0x3FB2]  }
0x2a: {  	p0 =	seq.s32 s5, $0x0;
	s5 =	sld [smem:$0x3FB3]  }
0x2b: {  	s6 =	sld [smem:$0x3FB4]  }
0x2c: {  	s7 =	sld [smem:$0x3FB5]  }
0x2d: {  	s3 =	simm.s32 $0x108;
	s8 =	sld [smem:$0x3FB6]  }
0x2e: {  	s3 =	simm.s32 @!p0 $0x1082;
	s9 =	sld [smem:$0x3FB7]  }
0x2f: {  	lr =	sadd.s32 s0, s3;
	s0 =	sld [smem:$0x3FAE]  }
0x30: {  	s3 =	sld [smem:$0x3FB1]  }
0x31: {  	[smem:$0x3FBA] =	sst s10  }
0x32: {  	s10 =	sld [smem:$0x3FB8];
	_ =	sdelay $0x3  }
0x33: {  	p0 =	seq.s32 s10, $0x1;
	s10 =	sld [smem:$0x3FBA];
	_ =	sdelay $0x3  }
0x34: {  	[smem:$0x3FBA] =	sst s10  }
0x35: {  	s10 =	sld [smem:$0x3FB9];
	_ =	sdelay $0x3  }
0x36: {  	p1 =	seq.s32 s10, $0x1;
	s10 =	sld [smem:$0x3FBA];
	_ =	sdelay $0x3  }
0x37: {  	[smem:$0x3FBA] =	sst s10  }
0x38: {  	s10 =	sld [smem:$0x3FBB]  }
0x39: {  	_ = 	snop;
	(pc) =	sbr.ind lr, $3  }
0x3a: {  	_ = 	snop  }
0x3b: {  	_ = 	snop  }
0x3c: {  	p2 =	seq.s32 s10, $0x1;
	s10 =	sld [smem:$0x3FBA]  }
0x3d: {  	_ =	shalt  }
0x3e: {  	_ =	shalt  }
0x3f: {  	_ =	shalt  }
0x40: {  	_ =	shalt  }
0x41: {  	_ =	shalt  }
0x42: {  	_ =	shalt  }
0x43: {  	_ =	shalt  }
0x44: {  	_ =	shalt  }
0x45: {  	_ =	shalt  }
0x46: {  	_ =	shalt  }
0x47: {  	_ =	shalt  }
0x48: {  	_ =	shalt  }
0x49: {  	_ =	shalt  }
0x4a: {  	_ =	shalt  }
0x4b: {  	_ =	shalt  }
0x4c: {  	_ =	shalt  }
0x4d: {  	_ =	shalt  }
0x4e: {  	_ =	shalt  }
0x4f: {  	_ =	shalt  }
0x50: {  	_ =	shalt  }
0x51: {  	_ =	shalt  }
0x52: {  	_ =	shalt  }
0x53: {  	_ =	shalt  }
0x54: {  	_ =	shalt  }
0x55: {  	_ =	shalt  }
0x56: {  	_ =	shalt  }
0x57: {  	_ =	shalt  }
0x58: {  	_ =	shalt  }
0x59: {  	_ =	shalt  }
0x5a: {  	_ =	shalt  }
0x5b: {  	_ =	shalt  }
0x5c: {  	_ =	shalt  }
0x5d: {  	_ =	shalt  }
0x5e: {  	_ =	shalt  }
0x5f: {  	_ =	shalt  }
0x60: {  	_ =	shalt  }
0x61: {  	_ =	shalt  }
0x62: {  	_ =	shalt  }
0x63: {  	_ =	shalt  }
0x64: {  	_ =	shalt  }
0x65: {  	_ =	shalt  }
0x66: {  	_ =	shalt  }
0x67: {  	_ =	shalt  }
0x68: {  	_ =	shalt  }
0x69: {  	_ =	shalt  }
0x6a: {  	_ =	shalt  }
0x6b: {  	_ =	shalt  }
0x6c: {  	_ =	shalt  }
0x6d: {  	_ =	shalt  }
0x6e: {  	_ =	shalt  }
0x6f: {  	_ =	shalt  }
0x70: {  	_ =	shalt  }
0x71: {  	_ =	shalt  }
0x72: {  	_ =	shalt  }
0x73: {  	_ =	shalt  }
0x74: {  	_ =	shalt  }
0x75: {  	_ =	shalt  }
0x76: {  	_ =	shalt  }
0x77: {  	_ =	shalt  }
0x78: {  	_ =	shalt  }
0x79: {  	_ =	shalt  }
0x7a: {  	_ =	shalt  }
0x7b: {  	_ =	shalt  }
0x7c: {  	_ =	shalt  }
0x7d: {  	_ =	shalt  }
0x7e: {  	_ =	shalt  }
0x7f: {  	_ =	shalt  }
0x80: {  	_ =	shalt  }
0x81: {  	_ =	shalt  }
0x82: {  	_ =	shalt  }
0x83: {  	_ =	shalt  }
0x84: {  	_ =	shalt  }
0x85: {  	_ =	shalt  }
0x86: {  	_ =	shalt  }
0x87: {  	_ =	shalt  }
.Lfunc_end0:
.L_simem_size_0:
called_computation_lowered:
.L_overlay_start_0:
0x88: {  	s2 =	sld [smem:$0x3FD9]  }
0x89: {  	s3 =	sld [smem:$0x3FFE];
	_ =	sdelay $0x1  }
0x8a: {  	s1 =	srdreg.scid  }
0x8b: {  	s0 =	sand.u32 $0x1, s1  }
0x8c: {  	s16 =	sshll.u32 s0, $0xA;
	s2 =	sadd.s32 s3, s2  }
0x8d: {  	s2 =	sadd.s32 s2, s16  }
0x8e: {  	[smem:$0x3FC6] =	sst s2  }
0x8f: {  	_ = 	snop  }
0x90: {  	(tm) =	ssettm $0x1  }
0x91: {  	s17 =	sld [smem:$0x3FFB];
	_ =	sdelay $0x3  }
0x92: {  	_ =	strace s17  }
0x93: {  	s2 =	sld [smem:$0x3FFC];
	_ =	sdelay $0x3  }
0x94: {  	_ =	strace s2  }
0x95: {  	s2 =	sld [smem:$0x3FFD];
	_ =	sdelay $0x3  }
0x96: {  	_ =	strace s2  }
0x97: {  	_ =	strace $0x8FFFFFFF  }
0x98: {  	s18 =	sld [smem:$0x3FDB];
	_ =	sdelay $0x1  }
0x99: {  	s19 =	simm.s32 $_scs_section_size  }
0x9a: {  	s4 =	simm.s32 $_size__tile_overlayer_lowered;
	s5 =	simm.s32 $_tile_overlayer_lowered  }
0x9b: {  	s22 =	simm.s32 $0x1BFF;
	s21 =	sshll.u32 s5, $0x1;
	s2 =	sadd.s32 s19, s18  }
0x9c: {  	s6 =	simm.s32 $0x0;
	s20 =	sshll.u32 s4, $0x1;
	s4 =	sadd.s32 s21, s2  }
0x9d: {  	[timem:s6], [sflag:s22] =	dma.local [hbm:s4], s20  }
0x9e: {  	_ =	swait.ge [sflag:s22], s20  }
0x9f: {  	s3 =	ssub.s32 $0x0, s20;
	[sflag:s22] =	ssyncset.done $0x0  }
0xa0: {  	[sflag:s22] =	ssyncadd.s32 s3;
	_ =	sdelay $0x1  }
0xa1: {  	s23 =	simm.s32 $0x1B8B  }
0xa2: {  	_ =	swait.ge [sflag:s23], $0x1  }
0xa3: {  	[sflag:s23] =	ssyncset.done $0x0  }
0xa4: {  	s25 =	simm.s32 $0x1B8E;
	s24 =	sld [smem:$0x3FFE];
	[sflag:s23] =	ssyncadd.s32 $0xFFFFFFFF  }
0xa5: {  	s26 =	simm.s32 $execute0_lowered;
	[smem:$0x3FD2] =	sst s25  }
0xa6: {  	s4 =	sshll.u32 s26, $0x1;
	_ =	strace $0x80000046;
	[dreg:$0x1] =	wrdreg $0xFFFFFFFF  }
0xa7: {  	s28 =	simm.s32 $_size_execute0_lowered;
	s2 =	sadd.s32 s2, s4;
	[dreg:$0x0] =	wrdreg $0x0  }
0xa8: {  	s4 =	sshll.u32 s28, $0x1;
	[dreg:$0x2] =	wrdreg s2  }
0xa9: {  	[dreg:$0x3] =	wrdreg s4  }
0xaa: {  	[dreg:$0x4] =	wrdreg $0xC0  }
0xab: {  	_ =	task [dreg:s6], $0x5FFFF  }
0xac: {  	[dreg:$0x1] =	wrdreg $0xFFFFFFFF  }
0xad: {  	[dreg:$0x0] =	wrdreg $0x60  }
0xae: {  	[dreg:$0x2] =	wrdreg s24  }
0xaf: {  	[dreg:$0x3] =	wrdreg $0x9  }
0xb0: {  	_ =	task.clear_ibuf [dreg:s6], $0x4FFFF;
	_ =	strace $0x90000046  }
0xb1: {  	s29 =	simm.s32 $0x9;
	_ =	strace $0x80000048  }
0xb2: {  	_ =	swait.ge [sflag:s29], $0x1  }
0xb3: {  	[sflag:s29] =	ssyncadd.s32 $0xFFFFFFFF  }
0xb4: {  	_ =	strace $0x90000048  }
0xb5: {  	_ =	sfence  }
0xb6: {  	s30 =	sld [smem:$0x0];
	_ =	sdelay $0x2  }
0xb7: {  	s31 =	sshll.u32 s1, $0xD;
	s1 =	sshrl.u32 s1, $0x2  }
0xb8: {  	s3 =	sand.u32 $0x4000, s31;
	s1 =	sadd.s32 s1, s30  }
0xb9: {  	s0 =	sor.u32 s3, s0;
	s1 =	sshll.u32 s1, $0x11  }
0xba: {  	s0 =	sor.u32 s1, s0  }
0xbb: {  	s0 =	sadd.s32 $0x8F2B, s0  }
0xbc: {  	[sflag:s0] =	ssyncadd.remote.s32 $0x1  }
0xbd: {  	_ =	sfence.sel $0xFFFF  }
0xbe: {  	[dreg:$0x0] =	wrdreg $0xFFFFFFFF;
	(pc) =	sbr.abs _section_cstart, $3  }
0xbf: {  	[dreg:$0x1] =	wrdreg $0xFFFFFFFF  }
0xc0: {  	_ =	task.clear_ibuf [dreg:s6], $0x2FFFF;
	_ =	strace $0x9FFFFFFF  }
0xc1: {  	(tm) =	ssettm $0x7FFFFFFF  }
tec
execute0_lowered:
.L_overlay_start_1:
0x0: {  	(tag) =	ssettag $0x1  }
0x1: {  	s4 =	rddreg [dreg:$0x0]  }
0x2: {  	s0 =	rddreg [dreg:$0x1];
	s2 =	simm.s32 $0x0  }
0x3: {  	s3 =	srdreg.scid;
	s1 =	stileid.u32;
	s10 =	simm.s32 $0x600  }
0x4: {  	s11 =	simm.s32 $0x800;
	s12 =	simm.s32 $0x1;
	s13 =	simm.s32 $0xA00  }
0x5: {  	s14 =	simm.s32 $0x2;
	s15 =	simm.s32 $0x0;
	[smem:$0x7FF] =	sst s2  }
0x6: {  	s5 =	sand.u32 $0x1, s3;
	s6 =	sshll.u32 s1, $0x1;
	s3 =	sadd.s32 $0x2200, s4  }
0x7: {  	_ =	strace $0x80000047;
	s6 =	sor.u32 s5, s6;
	s5 =	ssub.s32 $0x2, s5  }
0x8: {  	s7 =	sshll.u32 s6, $0x6;
	s6 =	sshll.u32 s6, $0x1;
	s8 =	sshrl.u32 s5, $0x1  }
0x9: {  	s7 =	sadd.s32 s7, s4;
	s9 =	sadd.s32 s6, s4;
	s8 =	ssub.s32 s5, s8  }
0xa: {  	s4 =	sadd.s32 $0xA00, s7;
	s5 =	sadd.s32 $0x1200, s7;
	s6 =	sadd.s32 $0x1A00, s7  }
0xb: {  	s7 =	sadd.s32 $0x2400, s9;
	s8 =	smax.u32 s8, $0x1;
	s9 =	simm.s32 $0x400  }
.LBB2_1:
0xc: {  	[tilespmem:s2], [sflag:$0x1] =	stream.linear.gather [hbm4b:s3+s2], $0x400, $0x38;
	[tilespmem:$0xA80] =	vst v63  }
0xd: {  	_ = 	snop  }
0xe: {  	[tilespmem:s9], [sflag:$0x1] =	stream.linear.gather [hbm4b:s4+s2], $0x200, $0x38;
	[tilespmem:$0xA80] =	vst v63  }
0xf: {  	_ = 	snop  }
0x10: {  	[tilespmem:s10], [sflag:$0x1] =	stream.linear.gather [hbm4b:s5+s2], $0x200, $0x38;
	[tilespmem:$0xA80] =	vst v63  }
0x11: {  	_ = 	snop  }
0x12: {  	[tilespmem:s11], [sflag:$0x1] =	stream.linear.gather [hbm4b:s6+s2], $0x200, $0x38;
	[tilespmem:$0xA80] =	vst v63  }
0x13: {  	_ =	swait.ge [sflag:s12], $0x400  }
0x14: {  	[sflag:s12] =	ssyncset.done $0x0  }
0x15: {  	[sflag:s12] =	ssyncadd.s32 $0xFFFFFC00  }
0x16: {  	_ =	swait.ge [sflag:s12], $0x200  }
0x17: {  	[sflag:s12] =	ssyncset.done $0x0  }
0x18: {  	[sflag:s12] =	ssyncadd.s32 $0xFFFFFE00  }
0x19: {  	_ =	swait.ge [sflag:s12], $0x200  }
0x1a: {  	[sflag:s12] =	ssyncset.done $0x0  }
0x1b: {  	[sflag:s12] =	ssyncadd.s32 $0xFFFFFE00  }
0x1c: {  	_ =	swait.ge [sflag:s12], $0x200  }
0x1d: {  	[sflag:s12] =	ssyncset.done $0x0  }
0x1e: {  	s16 =	simm.s32 $0x0;
	[sflag:s12] =	ssyncadd.s32 $0xFFFFFE00  }
0x1f: {  	v2 =	vld [tilespmem:s16+$0x600];
	_ =	sdelay $0x6  }
0x20: {  	v1 =	vld [tilespmem:s16+$0x400]  }
0x21: {  	v0 =	vimm.f32 $0.0e+00;
	s18 =	simm.s32 $0x10;
	s17 =	simm.s32 $0x80;
	v2 =	vld.idx.msk [tilespmem:v2+s2+$0x0], $0xffff  }
.LBB2_2:
0x22: {  	p0 =	sne.s32 s17, $0x7C0;
	v3 =	vld [tilespmem:s18+$0x600]  }
0x23: {  	v4 =	vld [tilespmem:s16+$0x800];
	s16 =	smov.u32 s18;
	_ =	sdelay $0x2  }
.Ltmp0:
0x24: {  	(pc) =	sbr.rel @p0 .LBB2_2-.Ltmp0, $4  }
0x25: {  	vm0 =	vgt.f32 v1, v2  }
0x26: {  	v2 =	vnsel vm0, $0x0, v4  }
0x27: {  	v1 =	vld [tilespmem:s16+$0x400];
	v0 =	vadd.f32 v2, v0  }
0x28: {  	s18 =	sshra.s32 s17, $0x2;
	s17 =	sadd.s32 $0x40, s17;
	v2 =	vld.idx.msk [tilespmem:v3+s2+$0x0], $0xffff  }
0x29: {  	v3 =	vld [tilespmem:s18+$0x600];
	_ =	sdelay $0x5  }
0x2a: {  	v4 =	vld [tilespmem:s16+$0x800]  }
0x2b: {  	v5 =	vld [tilespmem:s18+$0x400]  }
0x2c: {  	v3 =	vld.idx.msk [tilespmem:v3+s2+$0x0], $0xffff  }
0x2d: {  	v6 =	vld [tilespmem:s18+$0x800];
	_ =	sdelay $0x1  }
0x2e: {  	vm0 =	vgt.f32 v1, v2  }
0x2f: {  	v1 =	vnsel vm0, $0x0, v4  }
0x30: {  	v0 =	vadd.f32 v1, v0;
	vm15 =	vgt.f32 v5, v3  }
0x31: {  	v63 =	vnsel vm15, $0x0, v6  }
0x32: {  	s15 =	sadd.s32 $0x1, s15;
	v0 =	vadd.f32 v63, v0  }
0x33: {  	p0 =	sne.s32 s15, s8  }
.Ltmp1:
0x34: {  	[tilespmem:$0xA00] =	vst v0;
	(pc) =	sbr.rel @p0 .LBB2_1-.Ltmp1, $4  }
0x35: {  	[hbm4b:s7+s2] =	stream.linear.scatter [tilespmem:s13], [sflag:$0x2], $0x10, $0x38;
	[tilespmem:$0xA80] =	vst v63  }
0x36: {  	_ =	swait.ge [sflag:s14], $0x10  }
0x37: {  	[sflag:s14] =	ssyncset.done $0x0  }
0x38: {  	[sflag:s14] =	ssyncadd.s32 $0xFFFFFFF0  }
0x39: {  	_ =	sfence.sel $0x180000  }
0x3a: {  	[bflag:$0x0] =	sbarrier.arrive $0xFFFF  }
0x3b: {  	p0 =	sne.s32 s1, $0x0;
	_ =	strace $0x90000047  }
0x3c: {  	s0 =	sadd.s32 @!p0 $0x100000, s0;
	[bflag:$0x2] =	sbarrier.arrive $0xFFFF  }
0x3d: {  	[sflag:s0] =	ssyncadd.tile.s32 @!p0 $0x1;
	_ =	shalt  }
.Lfunc_end2:
_tile_overlayer_lowered:
.L_overlay_start_2:
0x3e: {  	(tag) =	ssettag $0x2  }
0x3f: {  	s0 =	rddreg [dreg:$0x0];
	s2 =	stileid.u32  }
0x40: {  	s1 =	rddreg [dreg:$0x1];
	p0 =	sne.s32 s2, $0x0  }
0x41: {  	s3 =	rddreg [dreg:$0x2];
	[bflag:$0x3] =	sbarrier.arrive $0xFFFF;
	s2 =	simm.s32 @!p0 $0x1C02  }
0x42: {  	[timem:s3], [sflag:s2] =	dma.local @!p0 [hbm:s0], s1  }
0x43: {  	s0 =	simm.s32 @!p0 $0x2  }
0x44: {  	_ =	swait.ge @!p0 [sflag:s0], s1  }
0x45: {  	s1 =	ssub.s32 @!p0 $0x0, s1;
	[sflag:s0] =	ssyncset.done @!p0 $0x0  }
0x46: {  	[sflag:s0] =	ssyncadd.s32 @!p0 s1  }
0x47: {  	[bflag:$0x3] =	sbarrier.arrive $0xFFFF  }
0x48: {  	_ =	shalt  }

</sc_bundles>
